<compile_context>
chip_gen: v7x
topology: tpu7x:2x2x1
jax: 0.10.2.dev20260603
libtpu: 0.0.44.dev20260713+nightly
codegen_flags: <defaults>
</compile_context>

<pallas_src>
import functools

import jax
import jax.numpy as jnp
from jax import lax
from jax.experimental import pallas as pl
from jax.experimental.pallas import tpu as pltpu
from jax.experimental.pallas import tpu_sc as plsc

_NC = 2
_NS = 16
_NW = _NC * _NS
_CH = 16
_NBUF = 7


def _make_sc_copy(seq, d, dtype):
    rows_per_w = seq // _NW
    nchunk = rows_per_w // _CH
    mesh = plsc.VectorSubcoreMesh(core_axis_name="c", subcore_axis_name="s")

    @functools.partial(
        pl.kernel,
        out_type=jax.ShapeDtypeStruct((seq, d), dtype),
        mesh=mesh,
        scratch_types=[
            pltpu.VMEM((_NBUF, _CH, d), dtype),
            pltpu.SemaphoreType.DMA((_NBUF,)),
            pltpu.SemaphoreType.DMA((_NBUF,)),
        ],
    )
    def sc_copy(table_hbm, out_hbm, buf, isem, osem):
        wid = lax.axis_index("s") * _NC + lax.axis_index("c")
        base = wid * rows_per_w

        def in_cp(i):
            s = lax.rem(i, _NBUF)
            return pltpu.make_async_copy(
                table_hbm.at[pl.ds(base + i * _CH, _CH)], buf.at[s], isem.at[s])

        def out_cp(i):
            s = lax.rem(i, _NBUF)
            return pltpu.make_async_copy(
                buf.at[s], out_hbm.at[pl.ds(base + i * _CH, _CH)], osem.at[s])

        for i in range(_NBUF - 1):
            in_cp(jnp.int32(i)).start()

        def body(i, carry):
            in_cp(i).wait()
            out_cp(i).start()

            @pl.when(i >= 1)
            def _():
                out_cp(i - 1).wait()

            @pl.when(i + _NBUF - 1 < nchunk)
            def _():
                in_cp(i + _NBUF - 1).start()

            return carry

        lax.fori_loop(0, nchunk, body, jnp.int32(0))
        out_cp(jnp.int32(nchunk - 1)).wait()

    return sc_copy


def kernel(x, positional_embeddings):
    seq = x.shape[1]
    table = positional_embeddings
    src = table if seq == table.shape[0] else table[:seq]
    return _make_sc_copy(seq, table.shape[1], table.dtype)(src)

# --- scband reference (transcript-rebuilt; emitter-appended) ---
"""Pipeline reference for scband-positional-embedding-65661460021621 (READ-ONLY COPY).

The authoritative reference and input builder live on the scoring server;
editing this copy changes nothing except your own understanding.
"""

import jax, jax.numpy as jnp
import numpy as np

MAX_LENGTH = 8192
EMBEDDING_DIM = 1024

def setup_inputs(seed: int = 0) -> dict:
    key = jax.random.key(seed)
    k_x, k_tab = jax.random.split(key)
    x = jax.random.randint(k_x, (4, 8192), 0, 50257, dtype=jnp.int64 if jax.config.jax_enable_x64 else jnp.int32)
    positional_embeddings = jax.random.normal(k_tab, (MAX_LENGTH, EMBEDDING_DIM), dtype=jnp.float32) * 0.02
    return {"x": x, "positional_embeddings": positional_embeddings}

def reference(x, positional_embeddings):
    # Faithful translation of PositionalEmbedding.__call__:
    # position_indices = arange(max_length); return table[position_indices[:x.shape[1]]]
    max_length = positional_embeddings.shape[0]
    position_indices = jnp.arange(max_length)
    return jnp.take(positional_embeddings, position_indices[: x.shape[1]], axis=0)

if __name__ == "__main__":
    import jax
    _d = setup_inputs()
    print(jax.jit(kernel)(*tuple(_d.values())))

</pallas_src>

<mosaic_0001>
#map = affine_map<(d0, d1) -> (0, 0)>
module attributes {stable_mosaic.version = 14 : i64} {
  func.func @sc_copy(%arg0: i32, %arg1: i32, %arg2: memref<8192x1024xf32, #tpu.memory_space<hbm>>, %arg3: memref<8192x1024xf32, #tpu.memory_space<hbm>>, %arg4: memref<7x16x1024xf32, #tpu.memory_space<vmem>>, %arg5: memref<7x!tpu.dma_semaphore, #tpu.memory_space<semaphore_mem>>, %arg6: memref<7x!tpu.dma_semaphore, #tpu.memory_space<semaphore_mem>>) attributes {dimension_semantics = [#tpu.dimension_semantics<core_parallel>, #tpu.dimension_semantics<subcore_parallel>], iteration_bounds = array<i64: 2, 16>, scalar_prefetch = 0 : i64, scratch_operands = 3 : i64, tpu.core_type = #tpu.core_type<sc_vector_subcore>, window_params = [{transform_indices = #map}, {transform_indices = #map}]} {
    %mul3A = arith.constant 2 : i32
    %mul3A_0 = arith.muli %arg1, %mul3A : i32
    %add3A = arith.addi %mul3A_0, %arg0 : i32
    %mul3A_1 = arith.constant 256 : i32
    %mul3A_2 = arith.muli %add3A, %mul3A_1 : i32
    %rem3A = arith.constant 0 : i32
    %rem3A_3 = arith.constant 7 : i32
    %rem3A_4 = arith.remsi %rem3A, %rem3A_3 : i32
    %mul3A_5 = arith.constant 0 : i32
    %mul3A_6 = arith.constant 16 : i32
    %mul3A_7 = arith.muli %mul3A_5, %mul3A_6 : i32
    %add3A_8 = arith.addi %mul3A_2, %mul3A_7 : i32
    %dma_start3A = arith.constant 0 : i32
    %dma_start3A_9 = arith.constant 0 : i32
    %dma_start3A_10 = tpu.memref_slice %arg4[%rem3A_4, %dma_start3A, %dma_start3A_9] : memref<7x16x1024xf32, #tpu.memory_space<vmem>> -> memref<1x16x1024xf32, #tpu.memory_space<vmem>>
    %dma_start3A_11 = tpu.memref_squeeze %dma_start3A_10 : memref<1x16x1024xf32, #tpu.memory_space<vmem>> -> memref<16x1024xf32, #tpu.memory_space<vmem>>
    %dma_start3A_12 = arith.constant 0 : i32
    %dma_start3A_13 = tpu.memref_slice %arg2[%add3A_8, %dma_start3A_12] : memref<8192x1024xf32, #tpu.memory_space<hbm>> -> memref<16x1024xf32, #tpu.memory_space<hbm>>
    %dma_start3A_14 = tpu.memref_slice %arg5[%rem3A_4] : memref<7x!tpu.dma_semaphore, #tpu.memory_space<semaphore_mem>> -> memref<1x!tpu.dma_semaphore, #tpu.memory_space<semaphore_mem>>
    %dma_start3A_15 = tpu.memref_squeeze %dma_start3A_14 : memref<1x!tpu.dma_semaphore, #tpu.memory_space<semaphore_mem>> -> memref<!tpu.dma_semaphore, #tpu.memory_space<semaphore_mem>>
    %dma_start3A_16 = arith.constant 0 : i32
    %dma_start3A_17 = arith.constant 0 : i32
    %dma_start3A_18 = tpu.memref_slice %arg4[%rem3A_4, %dma_start3A_16, %dma_start3A_17] : memref<7x16x1024xf32, #tpu.memory_space<vmem>> -> memref<1x16x1024xf32, #tpu.memory_space<vmem>>
    %dma_start3A_19 = tpu.memref_squeeze %dma_start3A_18 : memref<1x16x1024xf32, #tpu.memory_space<vmem>> -> memref<16x1024xf32, #tpu.memory_space<vmem>>
    %dma_start3A_20 = arith.constant 0 : i32
    %dma_start3A_21 = tpu.memref_slice %arg2[%add3A_8, %dma_start3A_20] : memref<8192x1024xf32, #tpu.memory_space<hbm>> -> memref<16x1024xf32, #tpu.memory_space<hbm>>
    tpu.enqueue_dma source(%dma_start3A_21 : memref<16x1024xf32, #tpu.memory_space<hbm>>) target(%dma_start3A_19 : memref<16x1024xf32, #tpu.memory_space<vmem>>) target_semaphore(%dma_start3A_15 : memref<!tpu.dma_semaphore, #tpu.memory_space<semaphore_mem>>)
    %rem3A_22 = arith.constant 1 : i32
    %rem3A_23 = arith.constant 7 : i32
    %rem3A_24 = arith.remsi %rem3A_22, %rem3A_23 : i32
    %mul3A_25 = arith.constant 1 : i32
    %mul3A_26 = arith.constant 16 : i32
    %mul3A_27 = arith.muli %mul3A_25, %mul3A_26 : i32
    %add3A_28 = arith.addi %mul3A_2, %mul3A_27 : i32
    %dma_start3A_29 = arith.constant 0 : i32
    %dma_start3A_30 = arith.constant 0 : i32
    %dma_start3A_31 = tpu.memref_slice %arg4[%rem3A_24, %dma_start3A_29, %dma_start3A_30] : memref<7x16x1024xf32, #tpu.memory_space<vmem>> -> memref<1x16x1024xf32, #tpu.memory_space<vmem>>
    %dma_start3A_32 = tpu.memref_squeeze %dma_start3A_31 : memref<1x16x1024xf32, #tpu.memory_space<vmem>> -> memref<16x1024xf32, #tpu.memory_space<vmem>>
    %dma_start3A_33 = arith.constant 0 : i32
    %dma_start3A_34 = tpu.memref_slice %arg2[%add3A_28, %dma_start3A_33] : memref<8192x1024xf32, #tpu.memory_space<hbm>> -> memref<16x1024xf32, #tpu.memory_space<hbm>>
    %dma_start3A_35 = tpu.memref_slice %arg5[%rem3A_24] : memref<7x!tpu.dma_semaphore, #tpu.memory_space<semaphore_mem>> -> memref<1x!tpu.dma_semaphore, #tpu.memory_space<semaphore_mem>>
    %dma_start3A_36 = tpu.memref_squeeze %dma_start3A_35 : memref<1x!tpu.dma_semaphore, #tpu.memory_space<semaphore_mem>> -> memref<!tpu.dma_semaphore, #tpu.memory_space<semaphore_mem>>
    %dma_start3A_37 = arith.constant 0 : i32
    %dma_start3A_38 = arith.constant 0 : i32
    %dma_start3A_39 = tpu.memref_slice %arg4[%rem3A_24, %dma_start3A_37, %dma_start3A_38] : memref<7x16x1024xf32, #tpu.memory_space<vmem>> -> memref<1x16x1024xf32, #tpu.memory_space<vmem>>
    %dma_start3A_40 = tpu.memref_squeeze %dma_start3A_39 : memref<1x16x1024xf32, #tpu.memory_space<vmem>> -> memref<16x1024xf32, #tpu.memory_space<vmem>>
    %dma_start3A_41 = arith.constant 0 : i32
    %dma_start3A_42 = tpu.memref_slice %arg2[%add3A_28, %dma_start3A_41] : memref<8192x1024xf32, #tpu.memory_space<hbm>> -> memref<16x1024xf32, #tpu.memory_space<hbm>>
    tpu.enqueue_dma source(%dma_start3A_42 : memref<16x1024xf32, #tpu.memory_space<hbm>>) target(%dma_start3A_40 : memref<16x1024xf32, #tpu.memory_space<vmem>>) target_semaphore(%dma_start3A_36 : memref<!tpu.dma_semaphore, #tpu.memory_space<semaphore_mem>>)
    %rem3A_43 = arith.constant 2 : i32
    %rem3A_44 = arith.constant 7 : i32
    %rem3A_45 = arith.remsi %rem3A_43, %rem3A_44 : i32
    %mul3A_46 = arith.constant 2 : i32
    %mul3A_47 = arith.constant 16 : i32
    %mul3A_48 = arith.muli %mul3A_46, %mul3A_47 : i32
    %add3A_49 = arith.addi %mul3A_2, %mul3A_48 : i32
    %dma_start3A_50 = arith.constant 0 : i32
    %dma_start3A_51 = arith.constant 0 : i32
    %dma_start3A_52 = tpu.memref_slice %arg4[%rem3A_45, %dma_start3A_50, %dma_start3A_51] : memref<7x16x1024xf32, #tpu.memory_space<vmem>> -> memref<1x16x1024xf32, #tpu.memory_space<vmem>>
    %dma_start3A_53 = tpu.memref_squeeze %dma_start3A_52 : memref<1x16x1024xf32, #tpu.memory_space<vmem>> -> memref<16x1024xf32, #tpu.memory_space<vmem>>
    %dma_start3A_54 = arith.constant 0 : i32
    %dma_start3A_55 = tpu.memref_slice %arg2[%add3A_49, %dma_start3A_54] : memref<8192x1024xf32, #tpu.memory_space<hbm>> -> memref<16x1024xf32, #tpu.memory_space<hbm>>
    %dma_start3A_56 = tpu.memref_slice %arg5[%rem3A_45] : memref<7x!tpu.dma_semaphore, #tpu.memory_space<semaphore_mem>> -> memref<1x!tpu.dma_semaphore, #tpu.memory_space<semaphore_mem>>
    %dma_start3A_57 = tpu.memref_squeeze %dma_start3A_56 : memref<1x!tpu.dma_semaphore, #tpu.memory_space<semaphore_mem>> -> memref<!tpu.dma_semaphore, #tpu.memory_space<semaphore_mem>>
    %dma_start3A_58 = arith.constant 0 : i32
    %dma_start3A_59 = arith.constant 0 : i32
    %dma_start3A_60 = tpu.memref_slice %arg4[%rem3A_45, %dma_start3A_58, %dma_start3A_59] : memref<7x16x1024xf32, #tpu.memory_space<vmem>> -> memref<1x16x1024xf32, #tpu.memory_space<vmem>>
    %dma_start3A_61 = tpu.memref_squeeze %dma_start3A_60 : memref<1x16x1024xf32, #tpu.memory_space<vmem>> -> memref<16x1024xf32, #tpu.memory_space<vmem>>
    %dma_start3A_62 = arith.constant 0 : i32
    %dma_start3A_63 = tpu.memref_slice %arg2[%add3A_49, %dma_start3A_62] : memref<8192x1024xf32, #tpu.memory_space<hbm>> -> memref<16x1024xf32, #tpu.memory_space<hbm>>
    tpu.enqueue_dma source(%dma_start3A_63 : memref<16x1024xf32, #tpu.memory_space<hbm>>) target(%dma_start3A_61 : memref<16x1024xf32, #tpu.memory_space<vmem>>) target_semaphore(%dma_start3A_57 : memref<!tpu.dma_semaphore, #tpu.memory_space<semaphore_mem>>)
    %rem3A_64 = arith.constant 3 : i32
    %rem3A_65 = arith.constant 7 : i32
    %rem3A_66 = arith.remsi %rem3A_64, %rem3A_65 : i32
    %mul3A_67 = arith.constant 3 : i32
    %mul3A_68 = arith.constant 16 : i32
    %mul3A_69 = arith.muli %mul3A_67, %mul3A_68 : i32
    %add3A_70 = arith.addi %mul3A_2, %mul3A_69 : i32
    %dma_start3A_71 = arith.constant 0 : i32
    %dma_start3A_72 = arith.constant 0 : i32
    %dma_start3A_73 = tpu.memref_slice %arg4[%rem3A_66, %dma_start3A_71, %dma_start3A_72] : memref<7x16x1024xf32, #tpu.memory_space<vmem>> -> memref<1x16x1024xf32, #tpu.memory_space<vmem>>
    %dma_start3A_74 = tpu.memref_squeeze %dma_start3A_73 : memref<1x16x1024xf32, #tpu.memory_space<vmem>> -> memref<16x1024xf32, #tpu.memory_space<vmem>>
    %dma_start3A_75 = arith.constant 0 : i32
    %dma_start3A_76 = tpu.memref_slice %arg2[%add3A_70, %dma_start3A_75] : memref<8192x1024xf32, #tpu.memory_space<hbm>> -> memref<16x1024xf32, #tpu.memory_space<hbm>>
    %dma_start3A_77 = tpu.memref_slice %arg5[%rem3A_66] : memref<7x!tpu.dma_semaphore, #tpu.memory_space<semaphore_mem>> -> memref<1x!tpu.dma_semaphore, #tpu.memory_space<semaphore_mem>>
    %dma_start3A_78 = tpu.memref_squeeze %dma_start3A_77 : memref<1x!tpu.dma_semaphore, #tpu.memory_space<semaphore_mem>> -> memref<!tpu.dma_semaphore, #tpu.memory_space<semaphore_mem>>
    %dma_start3A_79 = arith.constant 0 : i32
    %dma_start3A_80 = arith.constant 0 : i32
    %dma_start3A_81 = tpu.memref_slice %arg4[%rem3A_66, %dma_start3A_79, %dma_start3A_80] : memref<7x16x1024xf32, #tpu.memory_space<vmem>> -> memref<1x16x1024xf32, #tpu.memory_space<vmem>>
    %dma_start3A_82 = tpu.memref_squeeze %dma_start3A_81 : memref<1x16x1024xf32, #tpu.memory_space<vmem>> -> memref<16x1024xf32, #tpu.memory_space<vmem>>
    %dma_start3A_83 = arith.constant 0 : i32
    %dma_start3A_84 = tpu.memref_slice %arg2[%add3A_70, %dma_start3A_83] : memref<8192x1024xf32, #tpu.memory_space<hbm>> -> memref<16x1024xf32, #tpu.memory_space<hbm>>
    tpu.enqueue_dma source(%dma_start3A_84 : memref<16x1024xf32, #tpu.memory_space<hbm>>) target(%dma_start3A_82 : memref<16x1024xf32, #tpu.memory_space<vmem>>) target_semaphore(%dma_start3A_78 : memref<!tpu.dma_semaphore, #tpu.memory_space<semaphore_mem>>)
    %rem3A_85 = arith.constant 4 : i32
    %rem3A_86 = arith.constant 7 : i32
    %rem3A_87 = arith.remsi %rem3A_85, %rem3A_86 : i32
    %mul3A_88 = arith.constant 4 : i32
    %mul3A_89 = arith.constant 16 : i32
    %mul3A_90 = arith.muli %mul3A_88, %mul3A_89 : i32
    %add3A_91 = arith.addi %mul3A_2, %mul3A_90 : i32
    %dma_start3A_92 = arith.constant 0 : i32
    %dma_start3A_93 = arith.constant 0 : i32
    %dma_start3A_94 = tpu.memref_slice %arg4[%rem3A_87, %dma_start3A_92, %dma_start3A_93] : memref<7x16x1024xf32, #tpu.memory_space<vmem>> -> memref<1x16x1024xf32, #tpu.memory_space<vmem>>
    %dma_start3A_95 = tpu.memref_squeeze %dma_start3A_94 : memref<1x16x1024xf32, #tpu.memory_space<vmem>> -> memref<16x1024xf32, #tpu.memory_space<vmem>>
    %dma_start3A_96 = arith.constant 0 : i32
    %dma_start3A_97 = tpu.memref_slice %arg2[%add3A_91, %dma_start3A_96] : memref<8192x1024xf32, #tpu.memory_space<hbm>> -> memref<16x1024xf32, #tpu.memory_space<hbm>>
    %dma_start3A_98 = tpu.memref_slice %arg5[%rem3A_87] : memref<7x!tpu.dma_semaphore, #tpu.memory_space<semaphore_mem>> -> memref<1x!tpu.dma_semaphore, #tpu.memory_space<semaphore_mem>>
    %dma_start3A_99 = tpu.memref_squeeze %dma_start3A_98 : memref<1x!tpu.dma_semaphore, #tpu.memory_space<semaphore_mem>> -> memref<!tpu.dma_semaphore, #tpu.memory_space<semaphore_mem>>
    %dma_start3A_100 = arith.constant 0 : i32
    %dma_start3A_101 = arith.constant 0 : i32
    %dma_start3A_102 = tpu.memref_slice %arg4[%rem3A_87, %dma_start3A_100, %dma_start3A_101] : memref<7x16x1024xf32, #tpu.memory_space<vmem>> -> memref<1x16x1024xf32, #tpu.memory_space<vmem>>
    %dma_start3A_103 = tpu.memref_squeeze %dma_start3A_102 : memref<1x16x1024xf32, #tpu.memory_space<vmem>> -> memref<16x1024xf32, #tpu.memory_space<vmem>>
    %dma_start3A_104 = arith.constant 0 : i32
    %dma_start3A_105 = tpu.memref_slice %arg2[%add3A_91, %dma_start3A_104] : memref<8192x1024xf32, #tpu.memory_space<hbm>> -> memref<16x1024xf32, #tpu.memory_space<hbm>>
    tpu.enqueue_dma source(%dma_start3A_105 : memref<16x1024xf32, #tpu.memory_space<hbm>>) target(%dma_start3A_103 : memref<16x1024xf32, #tpu.memory_space<vmem>>) target_semaphore(%dma_start3A_99 : memref<!tpu.dma_semaphore, #tpu.memory_space<semaphore_mem>>)
    %rem3A_106 = arith.constant 5 : i32
    %rem3A_107 = arith.constant 7 : i32
    %rem3A_108 = arith.remsi %rem3A_106, %rem3A_107 : i32
    %mul3A_109 = arith.constant 5 : i32
    %mul3A_110 = arith.constant 16 : i32
    %mul3A_111 = arith.muli %mul3A_109, %mul3A_110 : i32
    %add3A_112 = arith.addi %mul3A_2, %mul3A_111 : i32
    %dma_start3A_113 = arith.constant 0 : i32
    %dma_start3A_114 = arith.constant 0 : i32
    %dma_start3A_115 = tpu.memref_slice %arg4[%rem3A_108, %dma_start3A_113, %dma_start3A_114] : memref<7x16x1024xf32, #tpu.memory_space<vmem>> -> memref<1x16x1024xf32, #tpu.memory_space<vmem>>
    %dma_start3A_116 = tpu.memref_squeeze %dma_start3A_115 : memref<1x16x1024xf32, #tpu.memory_space<vmem>> -> memref<16x1024xf32, #tpu.memory_space<vmem>>
    %dma_start3A_117 = arith.constant 0 : i32
    %dma_start3A_118 = tpu.memref_slice %arg2[%add3A_112, %dma_start3A_117] : memref<8192x1024xf32, #tpu.memory_space<hbm>> -> memref<16x1024xf32, #tpu.memory_space<hbm>>
    %dma_start3A_119 = tpu.memref_slice %arg5[%rem3A_108] : memref<7x!tpu.dma_semaphore, #tpu.memory_space<semaphore_mem>> -> memref<1x!tpu.dma_semaphore, #tpu.memory_space<semaphore_mem>>
    %dma_start3A_120 = tpu.memref_squeeze %dma_start3A_119 : memref<1x!tpu.dma_semaphore, #tpu.memory_space<semaphore_mem>> -> memref<!tpu.dma_semaphore, #tpu.memory_space<semaphore_mem>>
    %dma_start3A_121 = arith.constant 0 : i32
    %dma_start3A_122 = arith.constant 0 : i32
    %dma_start3A_123 = tpu.memref_slice %arg4[%rem3A_108, %dma_start3A_121, %dma_start3A_122] : memref<7x16x1024xf32, #tpu.memory_space<vmem>> -> memref<1x16x1024xf32, #tpu.memory_space<vmem>>
    %dma_start3A_124 = tpu.memref_squeeze %dma_start3A_123 : memref<1x16x1024xf32, #tpu.memory_space<vmem>> -> memref<16x1024xf32, #tpu.memory_space<vmem>>
    %dma_start3A_125 = arith.constant 0 : i32
    %dma_start3A_126 = tpu.memref_slice %arg2[%add3A_112, %dma_start3A_125] : memref<8192x1024xf32, #tpu.memory_space<hbm>> -> memref<16x1024xf32, #tpu.memory_space<hbm>>
    tpu.enqueue_dma source(%dma_start3A_126 : memref<16x1024xf32, #tpu.memory_space<hbm>>) target(%dma_start3A_124 : memref<16x1024xf32, #tpu.memory_space<vmem>>) target_semaphore(%dma_start3A_120 : memref<!tpu.dma_semaphore, #tpu.memory_space<semaphore_mem>>)
    %scan3A = arith.constant 0 : i32
    %scan3A_127 = arith.constant 0 : i32
    %scan3A_128 = arith.constant 16 : i32
    %scan3A_129 = arith.addi %scan3A_127, %scan3A_128 : i32
    %scan3A_130 = arith.constant 1 : i32
    scf.for %scan3A_152 = %scan3A_127 to %scan3A_129 step %scan3A_130  : i32 {
      %rem3A_153 = arith.constant 7 : i32
      %rem3A_154 = arith.remsi %scan3A_152, %rem3A_153 : i32
      %mul3A_155 = arith.constant 16 : i32
      %mul3A_156 = arith.muli %scan3A_152, %mul3A_155 : i32
      %add3A_157 = arith.addi %mul3A_2, %mul3A_156 : i32
      %dma_wait3A_158 = arith.constant 0 : i32
      %dma_wait3A_159 = arith.constant 0 : i32
      %dma_wait3A_160 = tpu.memref_slice %arg4[%rem3A_154, %dma_wait3A_158, %dma_wait3A_159] : memref<7x16x1024xf32, #tpu.memory_space<vmem>> -> memref<1x16x1024xf32, #tpu.memory_space<vmem>>
      %dma_wait3A_161 = tpu.memref_squeeze %dma_wait3A_160 : memref<1x16x1024xf32, #tpu.memory_space<vmem>> -> memref<16x1024xf32, #tpu.memory_space<vmem>>
      %dma_wait3A_162 = arith.constant 0 : i32
      %dma_wait3A_163 = tpu.memref_slice %arg2[%add3A_157, %dma_wait3A_162] : memref<8192x1024xf32, #tpu.memory_space<hbm>> -> memref<16x1024xf32, #tpu.memory_space<hbm>>
      %dma_wait3A_164 = tpu.memref_slice %arg5[%rem3A_154] : memref<7x!tpu.dma_semaphore, #tpu.memory_space<semaphore_mem>> -> memref<1x!tpu.dma_semaphore, #tpu.memory_space<semaphore_mem>>
      %dma_wait3A_165 = tpu.memref_squeeze %dma_wait3A_164 : memref<1x!tpu.dma_semaphore, #tpu.memory_space<semaphore_mem>> -> memref<!tpu.dma_semaphore, #tpu.memory_space<semaphore_mem>>
      %dma_wait3A_166 = arith.constant 0 : i32
      %dma_wait3A_167 = arith.constant 0 : i32
      %dma_wait3A_168 = tpu.memref_slice %arg4[%rem3A_154, %dma_wait3A_166, %dma_wait3A_167] : memref<7x16x1024xf32, #tpu.memory_space<vmem>> -> memref<1x16x1024xf32, #tpu.memory_space<vmem>>
      %dma_wait3A_169 = tpu.memref_squeeze %dma_wait3A_168 : memref<1x16x1024xf32, #tpu.memory_space<vmem>> -> memref<16x1024xf32, #tpu.memory_space<vmem>>
      %dma_wait3A_170 = arith.constant 0 : i32
      %dma_wait3A_171 = tpu.memref_slice %arg2[%add3A_157, %dma_wait3A_170] : memref<8192x1024xf32, #tpu.memory_space<hbm>> -> memref<16x1024xf32, #tpu.memory_space<hbm>>
      tpu.wait_dma2 semaphore(%dma_wait3A_165 : memref<!tpu.dma_semaphore, #tpu.memory_space<semaphore_mem>>) src(%dma_wait3A_171 : memref<16x1024xf32, #tpu.memory_space<hbm>>) dst(%dma_wait3A_169 : memref<16x1024xf32, #tpu.memory_space<vmem>>)
      %rem3A_172 = arith.constant 7 : i32
      %rem3A_173 = arith.remsi %scan3A_152, %rem3A_172 : i32
      %mul3A_174 = arith.constant 16 : i32
      %mul3A_175 = arith.muli %scan3A_152, %mul3A_174 : i32
      %add3A_176 = arith.addi %mul3A_2, %mul3A_175 : i32
      %dma_start3A_177 = arith.constant 0 : i32
      %dma_start3A_178 = arith.constant 0 : i32
      %dma_start3A_179 = tpu.memref_slice %arg4[%rem3A_173, %dma_start3A_177, %dma_start3A_178] : memref<7x16x1024xf32, #tpu.memory_space<vmem>> -> memref<1x16x1024xf32, #tpu.memory_space<vmem>>
      %dma_start3A_180 = tpu.memref_squeeze %dma_start3A_179 : memref<1x16x1024xf32, #tpu.memory_space<vmem>> -> memref<16x1024xf32, #tpu.memory_space<vmem>>
      %dma_start3A_181 = arith.constant 0 : i32
      %dma_start3A_182 = tpu.memref_slice %arg3[%add3A_176, %dma_start3A_181] : memref<8192x1024xf32, #tpu.memory_space<hbm>> -> memref<16x1024xf32, #tpu.memory_space<hbm>>
      %dma_start3A_183 = tpu.memref_slice %arg6[%rem3A_173] : memref<7x!tpu.dma_semaphore, #tpu.memory_space<semaphore_mem>> -> memref<1x!tpu.dma_semaphore, #tpu.memory_space<semaphore_mem>>
      %dma_start3A_184 = tpu.memref_squeeze %dma_start3A_183 : memref<1x!tpu.dma_semaphore, #tpu.memory_space<semaphore_mem>> -> memref<!tpu.dma_semaphore, #tpu.memory_space<semaphore_mem>>
      %dma_start3A_185 = arith.constant 0 : i32
      %dma_start3A_186 = tpu.memref_slice %arg3[%add3A_176, %dma_start3A_185] : memref<8192x1024xf32, #tpu.memory_space<hbm>> -> memref<16x1024xf32, #tpu.memory_space<hbm>>
      %dma_start3A_187 = arith.constant 0 : i32
      %dma_start3A_188 = arith.constant 0 : i32
      %dma_start3A_189 = tpu.memref_slice %arg4[%rem3A_173, %dma_start3A_187, %dma_start3A_188] : memref<7x16x1024xf32, #tpu.memory_space<vmem>> -> memref<1x16x1024xf32, #tpu.memory_space<vmem>>
      %dma_start3A_190 = tpu.memref_squeeze %dma_start3A_189 : memref<1x16x1024xf32, #tpu.memory_space<vmem>> -> memref<16x1024xf32, #tpu.memory_space<vmem>>
      tpu.enqueue_dma source(%dma_start3A_190 : memref<16x1024xf32, #tpu.memory_space<vmem>>) target(%dma_start3A_186 : memref<16x1024xf32, #tpu.memory_space<hbm>>) target_semaphore(%dma_start3A_184 : memref<!tpu.dma_semaphore, #tpu.memory_space<semaphore_mem>>)
      %ge3A = arith.constant 1 : i32
      %ge3A_191 = arith.cmpi sge, %scan3A_152, %ge3A : i32
      %convert_element_type3A = arith.extui %ge3A_191 : i1 to i32
      %cond3A = arith.constant 0 : i32
      %cond3A_192 = arith.cmpi ne, %convert_element_type3A, %cond3A : i32
      scf.if %cond3A_192 {
        %sub3A_200 = arith.constant 1 : i32
        %sub3A_201 = arith.subi %scan3A_152, %sub3A_200 : i32
        %rem3A_202 = arith.constant 7 : i32
        %rem3A_203 = arith.remsi %sub3A_201, %rem3A_202 : i32
        %mul3A_204 = arith.constant 16 : i32
        %mul3A_205 = arith.muli %sub3A_201, %mul3A_204 : i32
        %add3A_206 = arith.addi %mul3A_2, %mul3A_205 : i32
        %dma_wait3A_207 = arith.constant 0 : i32
        %dma_wait3A_208 = arith.constant 0 : i32
        %dma_wait3A_209 = tpu.memref_slice %arg4[%rem3A_203, %dma_wait3A_207, %dma_wait3A_208] : memref<7x16x1024xf32, #tpu.memory_space<vmem>> -> memref<1x16x1024xf32, #tpu.memory_space<vmem>>
        %dma_wait3A_210 = tpu.memref_squeeze %dma_wait3A_209 : memref<1x16x1024xf32, #tpu.memory_space<vmem>> -> memref<16x1024xf32, #tpu.memory_space<vmem>>
        %dma_wait3A_211 = arith.constant 0 : i32
        %dma_wait3A_212 = tpu.memref_slice %arg3[%add3A_206, %dma_wait3A_211] : memref<8192x1024xf32, #tpu.memory_space<hbm>> -> memref<16x1024xf32, #tpu.memory_space<hbm>>
        %dma_wait3A_213 = tpu.memref_slice %arg6[%rem3A_203] : memref<7x!tpu.dma_semaphore, #tpu.memory_space<semaphore_mem>> -> memref<1x!tpu.dma_semaphore, #tpu.memory_space<semaphore_mem>>
        %dma_wait3A_214 = tpu.memref_squeeze %dma_wait3A_213 : memref<1x!tpu.dma_semaphore, #tpu.memory_space<semaphore_mem>> -> memref<!tpu.dma_semaphore, #tpu.memory_space<semaphore_mem>>
        %dma_wait3A_215 = arith.constant 0 : i32
        %dma_wait3A_216 = tpu.memref_slice %arg3[%add3A_206, %dma_wait3A_215] : memref<8192x1024xf32, #tpu.memory_space<hbm>> -> memref<16x1024xf32, #tpu.memory_space<hbm>>
        %dma_wait3A_217 = arith.constant 0 : i32
        %dma_wait3A_218 = arith.constant 0 : i32
        %dma_wait3A_219 = tpu.memref_slice %arg4[%rem3A_203, %dma_wait3A_217, %dma_wait3A_218] : memref<7x16x1024xf32, #tpu.memory_space<vmem>> -> memref<1x16x1024xf32, #tpu.memory_space<vmem>>
        %dma_wait3A_220 = tpu.memref_squeeze %dma_wait3A_219 : memref<1x16x1024xf32, #tpu.memory_space<vmem>> -> memref<16x1024xf32, #tpu.memory_space<vmem>>
        tpu.wait_dma2 semaphore(%dma_wait3A_214 : memref<!tpu.dma_semaphore, #tpu.memory_space<semaphore_mem>>) src(%dma_wait3A_220 : memref<16x1024xf32, #tpu.memory_space<vmem>>) dst(%dma_wait3A_216 : memref<16x1024xf32, #tpu.memory_space<hbm>>)
      } else {
      }
      %add3A_193 = arith.constant 7 : i32
      %add3A_194 = arith.addi %scan3A_152, %add3A_193 : i32
      %sub3A = arith.constant 1 : i32
      %sub3A_195 = arith.subi %add3A_194, %sub3A : i32
      %lt3A = arith.constant 16 : i32
      %lt3A_196 = arith.cmpi slt, %sub3A_195, %lt3A : i32
      %convert_element_type3A_197 = arith.extui %lt3A_196 : i1 to i32
      %cond3A_198 = arith.constant 0 : i32
      %cond3A_199 = arith.cmpi ne, %convert_element_type3A_197, %cond3A_198 : i32
      scf.if %cond3A_199 {
        %add3A_200 = arith.constant 7 : i32
        %add3A_201 = arith.addi %scan3A_152, %add3A_200 : i32
        %sub3A_202 = arith.constant 1 : i32
        %sub3A_203 = arith.subi %add3A_201, %sub3A_202 : i32
        %rem3A_204 = arith.constant 7 : i32
        %rem3A_205 = arith.remsi %sub3A_203, %rem3A_204 : i32
        %mul3A_206 = arith.constant 16 : i32
        %mul3A_207 = arith.muli %sub3A_203, %mul3A_206 : i32
        %add3A_208 = arith.addi %mul3A_2, %mul3A_207 : i32
        %dma_start3A_209 = arith.constant 0 : i32
        %dma_start3A_210 = arith.constant 0 : i32
        %dma_start3A_211 = tpu.memref_slice %arg4[%rem3A_205, %dma_start3A_209, %dma_start3A_210] : memref<7x16x1024xf32, #tpu.memory_space<vmem>> -> memref<1x16x1024xf32, #tpu.memory_space<vmem>>
        %dma_start3A_212 = tpu.memref_squeeze %dma_start3A_211 : memref<1x16x1024xf32, #tpu.memory_space<vmem>> -> memref<16x1024xf32, #tpu.memory_space<vmem>>
        %dma_start3A_213 = arith.constant 0 : i32
        %dma_start3A_214 = tpu.memref_slice %arg2[%add3A_208, %dma_start3A_213] : memref<8192x1024xf32, #tpu.memory_space<hbm>> -> memref<16x1024xf32, #tpu.memory_space<hbm>>
        %dma_start3A_215 = tpu.memref_slice %arg5[%rem3A_205] : memref<7x!tpu.dma_semaphore, #tpu.memory_space<semaphore_mem>> -> memref<1x!tpu.dma_semaphore, #tpu.memory_space<semaphore_mem>>
        %dma_start3A_216 = tpu.memref_squeeze %dma_start3A_215 : memref<1x!tpu.dma_semaphore, #tpu.memory_space<semaphore_mem>> -> memref<!tpu.dma_semaphore, #tpu.memory_space<semaphore_mem>>
        %dma_start3A_217 = arith.constant 0 : i32
        %dma_start3A_218 = arith.constant 0 : i32
        %dma_start3A_219 = tpu.memref_slice %arg4[%rem3A_205, %dma_start3A_217, %dma_start3A_218] : memref<7x16x1024xf32, #tpu.memory_space<vmem>> -> memref<1x16x1024xf32, #tpu.memory_space<vmem>>
        %dma_start3A_220 = tpu.memref_squeeze %dma_start3A_219 : memref<1x16x1024xf32, #tpu.memory_space<vmem>> -> memref<16x1024xf32, #tpu.memory_space<vmem>>
        %dma_start3A_221 = arith.constant 0 : i32
        %dma_start3A_222 = tpu.memref_slice %arg2[%add3A_208, %dma_start3A_221] : memref<8192x1024xf32, #tpu.memory_space<hbm>> -> memref<16x1024xf32, #tpu.memory_space<hbm>>
        tpu.enqueue_dma source(%dma_start3A_222 : memref<16x1024xf32, #tpu.memory_space<hbm>>) target(%dma_start3A_220 : memref<16x1024xf32, #tpu.memory_space<vmem>>) target_semaphore(%dma_start3A_216 : memref<!tpu.dma_semaphore, #tpu.memory_space<semaphore_mem>>)
      } else {
      }
    }
    %scan3A_131 = arith.constant 16 : i32
    %rem3A_132 = arith.constant 15 : i32
    %rem3A_133 = arith.constant 7 : i32
    %rem3A_134 = arith.remsi %rem3A_132, %rem3A_133 : i32
    %mul3A_135 = arith.constant 15 : i32
    %mul3A_136 = arith.constant 16 : i32
    %mul3A_137 = arith.muli %mul3A_135, %mul3A_136 : i32
    %add3A_138 = arith.addi %mul3A_2, %mul3A_137 : i32
    %dma_wait3A = arith.constant 0 : i32
    %dma_wait3A_139 = arith.constant 0 : i32
    %dma_wait3A_140 = tpu.memref_slice %arg4[%rem3A_134, %dma_wait3A, %dma_wait3A_139] : memref<7x16x1024xf32, #tpu.memory_space<vmem>> -> memref<1x16x1024xf32, #tpu.memory_space<vmem>>
    %dma_wait3A_141 = tpu.memref_squeeze %dma_wait3A_140 : memref<1x16x1024xf32, #tpu.memory_space<vmem>> -> memref<16x1024xf32, #tpu.memory_space<vmem>>
    %dma_wait3A_142 = arith.constant 0 : i32
    %dma_wait3A_143 = tpu.memref_slice %arg3[%add3A_138, %dma_wait3A_142] : memref<8192x1024xf32, #tpu.memory_space<hbm>> -> memref<16x1024xf32, #tpu.memory_space<hbm>>
    %dma_wait3A_144 = tpu.memref_slice %arg6[%rem3A_134] : memref<7x!tpu.dma_semaphore, #tpu.memory_space<semaphore_mem>> -> memref<1x!tpu.dma_semaphore, #tpu.memory_space<semaphore_mem>>
    %dma_wait3A_145 = tpu.memref_squeeze %dma_wait3A_144 : memref<1x!tpu.dma_semaphore, #tpu.memory_space<semaphore_mem>> -> memref<!tpu.dma_semaphore, #tpu.memory_space<semaphore_mem>>
    %dma_wait3A_146 = arith.constant 0 : i32
    %dma_wait3A_147 = tpu.memref_slice %arg3[%add3A_138, %dma_wait3A_146] : memref<8192x1024xf32, #tpu.memory_space<hbm>> -> memref<16x1024xf32, #tpu.memory_space<hbm>>
    %dma_wait3A_148 = arith.constant 0 : i32
    %dma_wait3A_149 = arith.constant 0 : i32
    %dma_wait3A_150 = tpu.memref_slice %arg4[%rem3A_134, %dma_wait3A_148, %dma_wait3A_149] : memref<7x16x1024xf32, #tpu.memory_space<vmem>> -> memref<1x16x1024xf32, #tpu.memory_space<vmem>>
    %dma_wait3A_151 = tpu.memref_squeeze %dma_wait3A_150 : memref<1x16x1024xf32, #tpu.memory_space<vmem>> -> memref<16x1024xf32, #tpu.memory_space<vmem>>
    tpu.wait_dma2 semaphore(%dma_wait3A_145 : memref<!tpu.dma_semaphore, #tpu.memory_space<semaphore_mem>>) src(%dma_wait3A_151 : memref<16x1024xf32, #tpu.memory_space<vmem>>) dst(%dma_wait3A_147 : memref<16x1024xf32, #tpu.memory_space<hbm>>)
    return
  }
}

</mosaic_0001>

<sc_bundles>
// kernel: kernel.3.cloned.1.call-start
scs
__scs_entry_jumppad:
0x0: {  	(pc) =	sbr.rel $0x88, $3  }
0x1: {  	(tag) =	ssettag $0x0;
	lr =	simm.s32 $0x1  }
0x2: {  	[smem:$0x3FA0] =	sst lr;
	_ =	strace $0xD0000000  }
0x3: {  	_ = 	snop  }
0x4: {  	_ = 	snop  }
0x5: {  	_ = 	snop  }
0x6: {  	_ = 	snop  }
0x7: {  	_ = 	snop  }
__scs_overlays_trampoline_lowered:
0x8: {  	[smem:$0x3FAF] =	sst s0  }
0x9: {  	[smem:$0x3FB0] =	sst s1  }
0xa: {  	[smem:$0x3FB1] =	sst s2  }
0xb: {  	[smem:$0x3FB2] =	sst s3  }
0xc: {  	[smem:$0x3FB3] =	sst s4  }
0xd: {  	[smem:$0x3FB4] =	sst s5  }
0xe: {  	[smem:$0x3FB5] =	sst s6  }
0xf: {  	[smem:$0x3FB6] =	sst s7  }
0x10: {  	[smem:$0x3FB7] =	sst s8  }
0x11: {  	[smem:$0x3FB8] =	sst s9;
	s0 =	simm.s32 @!p0 $0x0  }
0x12: {  	s1 =	sld [smem:$0x3F9E];
	s0 =	simm.s32 @p0 $0x1  }
0x13: {  	[smem:$0x3FB9] =	sst s0;
	s0 =	simm.s32 @!p1 $0x0  }
0x14: {  	s2 =	sld [smem:$0x3F9D];
	s0 =	simm.s32 @p1 $0x1  }
0x15: {  	[smem:$0x3FBA] =	sst s0;
	s0 =	simm.s32 @!p2 $0x0  }
0x16: {  	s3 =	sld [smem:$0x3FDB];
	s0 =	simm.s32 @p2 $0x1  }
0x17: {  	s4 =	simm.s32 $0x1BF5;
	[smem:$0x3FBC] =	sst s0  }
0x18: {  	s0 =	sld [smem:$0x3F9F];
	_ =	swait.ge [sflag:s4], $0x0  }
0x19: {  	s7 =	sld [smem:$0x3FA0]  }
0x1a: {  	s8 =	sadd.s32 $0xFFFFE003, lr  }
0x1b: {  	s9 =	sadd.s32 $0xFFFFFEF7, lr;
	s5 =	simm.s32 $0xFFFFFFFF;
	p2 =	slt.u32 s8, $0xFFFFF086  }
0x1c: {  	p1 =	slt.u32 s9, $0xF7A;
	s5 =	simm.s32 @!p2 $0x0  }
0x1d: {  	s5 =	simm.s32 @p1 $0x1;
	p0 =	seq.s32 s7, s2  }
0x1e: {  	s7 =	smul.u32 @!p0 $0xF7A, s2;
	p2 =	seq.s32 @!p0 s5, $0x0  }
0x1f: {  	s9 =	smul.u32 $0xF7A, s1;
	s8 =	simm.s32 @!p0 $0x1BF5;
	p2 =	por !p2, p0  }
0x20: {  	[sflag:s8] =	ssyncset.s32 @!p0 $0xFFFFF086;
	s6 =	sadd.s32 @!p0 s3, s7;
	s7 =	simm.s32 @!p0 $0x108  }
0x21: {  	s3 =	sadd.s32 s3, s9;
	s6 =	sadd.s32 @!p0 $0x88, s6;
	s7 =	simm.s32 @p2 $0x1082  }
0x22: {  	[simem:s7], [sflag:s8] =	dma.local @!p0 [hbm:s6], $0xF7A  }
0x23: {  	s9 =	sor.u32 $0xD0000000, s2;
	s6 =	simm.s32 $0x108;
	_ =	swait.ge @!p0 [sflag:s8], $0x0  }
0x24: {  	s3 =	sadd.s32 $0x88, s3;
	s6 =	simm.s32 @!p1 $0x1082;
	[sflag:s4] =	ssyncset.s32 $0xFFFFF086  }
0x25: {  	[simem:s6], [sflag:s4] =	dma.local [hbm:s3], $0xF7A  }
0x26: {  	[smem:$0x3FA0] =	sst s1;
	(tag) =	ssettag s2;
	_ =	strace s9  }
0x27: {  	s1 =	sld [smem:$0x3FB0]  }
0x28: {  	s2 =	sld [smem:$0x3FB1]  }
0x29: {  	s4 =	sld [smem:$0x3FB3]  }
0x2a: {  	p0 =	seq.s32 s5, $0x0;
	s5 =	sld [smem:$0x3FB4]  }
0x2b: {  	s6 =	sld [smem:$0x3FB5]  }
0x2c: {  	s7 =	sld [smem:$0x3FB6]  }
0x2d: {  	s3 =	simm.s32 $0x108;
	s8 =	sld [smem:$0x3FB7]  }
0x2e: {  	s3 =	simm.s32 @!p0 $0x1082;
	s9 =	sld [smem:$0x3FB8]  }
0x2f: {  	lr =	sadd.s32 s0, s3;
	s0 =	sld [smem:$0x3FAF]  }
0x30: {  	s3 =	sld [smem:$0x3FB2]  }
0x31: {  	[smem:$0x3FBB] =	sst s10  }
0x32: {  	s10 =	sld [smem:$0x3FB9];
	_ =	sdelay $0x3  }
0x33: {  	p0 =	seq.s32 s10, $0x1;
	s10 =	sld [smem:$0x3FBB];
	_ =	sdelay $0x3  }
0x34: {  	[smem:$0x3FBB] =	sst s10  }
0x35: {  	s10 =	sld [smem:$0x3FBA];
	_ =	sdelay $0x3  }
0x36: {  	p1 =	seq.s32 s10, $0x1;
	s10 =	sld [smem:$0x3FBB];
	_ =	sdelay $0x3  }
0x37: {  	[smem:$0x3FBB] =	sst s10  }
0x38: {  	s10 =	sld [smem:$0x3FBC]  }
0x39: {  	_ = 	snop;
	(pc) =	sbr.ind lr, $3  }
0x3a: {  	_ = 	snop  }
0x3b: {  	_ = 	snop  }
0x3c: {  	p2 =	seq.s32 s10, $0x1;
	s10 =	sld [smem:$0x3FBB]  }
0x3d: {  	_ =	shalt  }
0x3e: {  	_ =	shalt  }
0x3f: {  	_ =	shalt  }
0x40: {  	_ =	shalt  }
0x41: {  	_ =	shalt  }
0x42: {  	_ =	shalt  }
0x43: {  	_ =	shalt  }
0x44: {  	_ =	shalt  }
0x45: {  	_ =	shalt  }
0x46: {  	_ =	shalt  }
0x47: {  	_ =	shalt  }
0x48: {  	_ =	shalt  }
0x49: {  	_ =	shalt  }
0x4a: {  	_ =	shalt  }
0x4b: {  	_ =	shalt  }
0x4c: {  	_ =	shalt  }
0x4d: {  	_ =	shalt  }
0x4e: {  	_ =	shalt  }
0x4f: {  	_ =	shalt  }
0x50: {  	_ =	shalt  }
0x51: {  	_ =	shalt  }
0x52: {  	_ =	shalt  }
0x53: {  	_ =	shalt  }
0x54: {  	_ =	shalt  }
0x55: {  	_ =	shalt  }
0x56: {  	_ =	shalt  }
0x57: {  	_ =	shalt  }
0x58: {  	_ =	shalt  }
0x59: {  	_ =	shalt  }
0x5a: {  	_ =	shalt  }
0x5b: {  	_ =	shalt  }
0x5c: {  	_ =	shalt  }
0x5d: {  	_ =	shalt  }
0x5e: {  	_ =	shalt  }
0x5f: {  	_ =	shalt  }
0x60: {  	_ =	shalt  }
0x61: {  	_ =	shalt  }
0x62: {  	_ =	shalt  }
0x63: {  	_ =	shalt  }
0x64: {  	_ =	shalt  }
0x65: {  	_ =	shalt  }
0x66: {  	_ =	shalt  }
0x67: {  	_ =	shalt  }
0x68: {  	_ =	shalt  }
0x69: {  	_ =	shalt  }
0x6a: {  	_ =	shalt  }
0x6b: {  	_ =	shalt  }
0x6c: {  	_ =	shalt  }
0x6d: {  	_ =	shalt  }
0x6e: {  	_ =	shalt  }
0x6f: {  	_ =	shalt  }
0x70: {  	_ =	shalt  }
0x71: {  	_ =	shalt  }
0x72: {  	_ =	shalt  }
0x73: {  	_ =	shalt  }
0x74: {  	_ =	shalt  }
0x75: {  	_ =	shalt  }
0x76: {  	_ =	shalt  }
0x77: {  	_ =	shalt  }
0x78: {  	_ =	shalt  }
0x79: {  	_ =	shalt  }
0x7a: {  	_ =	shalt  }
0x7b: {  	_ =	shalt  }
0x7c: {  	_ =	shalt  }
0x7d: {  	_ =	shalt  }
0x7e: {  	_ =	shalt  }
0x7f: {  	_ =	shalt  }
0x80: {  	_ =	shalt  }
0x81: {  	_ =	shalt  }
0x82: {  	_ =	shalt  }
0x83: {  	_ =	shalt  }
0x84: {  	_ =	shalt  }
0x85: {  	_ =	shalt  }
0x86: {  	_ =	shalt  }
0x87: {  	_ =	shalt  }
.Lfunc_end0:
.L_simem_size_0:
called_computation_lowered:
.L_overlay_start_0:
0x88: {  	s2 =	sld [smem:$0x3FD9]  }
0x89: {  	s3 =	sld [smem:$0x3FFE];
	_ =	sdelay $0x1  }
0x8a: {  	s1 =	srdreg.scid  }
0x8b: {  	s0 =	sand.u32 $0x1, s1  }
0x8c: {  	s18 =	sshll.u32 s0, $0xA;
	s2 =	sadd.s32 s3, s2  }
0x8d: {  	s2 =	sadd.s32 s2, s18  }
0x8e: {  	[smem:$0x3FC7] =	sst s2  }
0x8f: {  	_ = 	snop  }
0x90: {  	s2 =	sld [smem:$0x3FC9]  }
0x91: {  	s19 =	sld [smem:$0x3FD0];
	(tm) =	ssettm $0x1  }
0x92: {  	s4 =	sld [smem:$0x3FFB];
	_ =	sdelay $0x3  }
0x93: {  	_ =	strace s4  }
0x94: {  	s4 =	sld [smem:$0x3FFC];
	_ =	sdelay $0x3  }
0x95: {  	_ =	strace s4  }
0x96: {  	s4 =	sld [smem:$0x3FFD];
	_ =	sdelay $0x3  }
0x97: {  	_ =	strace s4  }
0x98: {  	_ =	strace $0x8FFFFFFF  }
0x99: {  	s20 =	sld [smem:$0x3FDB];
	_ =	sdelay $0x1  }
0x9a: {  	s5 =	simm.s32 $_scs_section_size  }
0x9b: {  	s6 =	simm.s32 $_size__tile_overlayer_lowered;
	s7 =	simm.s32 $_tile_overlayer_lowered  }
0x9c: {  	s23 =	simm.s32 $0x1BFF;
	s22 =	sshll.u32 s7, $0x1;
	s4 =	sadd.s32 s5, s20  }
0x9d: {  	s8 =	simm.s32 $0x0;
	s21 =	sshll.u32 s6, $0x1;
	s6 =	sadd.s32 s22, s4  }
0x9e: {  	[timem:s8], [sflag:s23] =	dma.local [hbm:s6], s21  }
0x9f: {  	_ =	swait.ge [sflag:s23], s21  }
0xa0: {  	s5 =	ssub.s32 $0x0, s21;
	[sflag:s23] =	ssyncset.done $0x0  }
0xa1: {  	[sflag:s23] =	ssyncadd.s32 s5;
	_ =	sdelay $0x1  }
0xa2: {  	s24 =	simm.s32 $0x1B8B  }
0xa3: {  	_ =	swait.ge [sflag:s24], $0x1  }
0xa4: {  	[sflag:s24] =	ssyncset.done $0x0  }
0xa5: {  	s25 =	simm.s32 $0x1B8E;
	[sflag:s24] =	ssyncadd.s32 $0xFFFFFFFF  }
0xa6: {  	s26 =	simm.s32 $execute0_lowered;
	[smem:$0x3FD2] =	sst s25  }
0xa7: {  	s5 =	sshll.u32 s26, $0x1;
	_ =	strace $0x80000046;
	[dreg:$0x1] =	wrdreg $0xFFFFFFFF  }
0xa8: {  	s28 =	simm.s32 $_size_execute0_lowered;
	s4 =	sadd.s32 s4, s5;
	[dreg:$0x0] =	wrdreg $0x0  }
0xa9: {  	s5 =	sshll.u32 s28, $0x1;
	[dreg:$0x2] =	wrdreg s4  }
0xaa: {  	[dreg:$0x3] =	wrdreg s5  }
0xab: {  	[dreg:$0x4] =	wrdreg $0xC0  }
0xac: {  	_ =	task [dreg:s8], $0x5FFFF  }
0xad: {  	[dreg:$0x1] =	wrdreg $0xFFFFFFFF  }
0xae: {  	[dreg:$0x0] =	wrdreg $0x60  }
0xaf: {  	[dreg:$0x2] =	wrdreg s2  }
0xb0: {  	[dreg:$0x3] =	wrdreg s19  }
0xb1: {  	[dreg:$0x4] =	wrdreg $0x9  }
0xb2: {  	_ =	task.clear_ibuf [dreg:s8], $0x5FFFF;
	_ =	strace $0x90000046  }
0xb3: {  	s29 =	simm.s32 $0x9;
	_ =	strace $0x80000048  }
0xb4: {  	_ =	swait.ge [sflag:s29], $0x1  }
0xb5: {  	[sflag:s29] =	ssyncadd.s32 $0xFFFFFFFF  }
0xb6: {  	_ =	strace $0x90000048  }
0xb7: {  	_ =	sfence  }
0xb8: {  	s30 =	sld [smem:$0x0];
	_ =	sdelay $0x2  }
0xb9: {  	s31 =	sshll.u32 s1, $0xD;
	s1 =	sshrl.u32 s1, $0x2  }
0xba: {  	s3 =	sand.u32 $0x4000, s31;
	s1 =	sadd.s32 s1, s30  }
0xbb: {  	s0 =	sor.u32 s3, s0;
	s1 =	sshll.u32 s1, $0x11  }
0xbc: {  	s0 =	sor.u32 s1, s0  }
0xbd: {  	s0 =	sadd.s32 $0x8F2B, s0  }
0xbe: {  	[sflag:s0] =	ssyncadd.remote.s32 $0x1  }
0xbf: {  	_ =	sfence.sel $0xFFFF  }
0xc0: {  	[dreg:$0x0] =	wrdreg $0xFFFFFFFF;
	(pc) =	sbr.abs _section_cstart, $3  }
0xc1: {  	[dreg:$0x1] =	wrdreg $0xFFFFFFFF  }
0xc2: {  	_ =	task.clear_ibuf [dreg:s8], $0x2FFFF;
	_ =	strace $0x9FFFFFFF  }
0xc3: {  	(tm) =	ssettm $0x7FFFFFFF  }
tec
execute0_lowered:
.L_overlay_start_1:
0x0: {  	(tag) =	ssettag $0x1  }
0x1: {  	s9 =	rddreg [dreg:$0x0]  }
0x2: {  	s10 =	rddreg [dreg:$0x1]  }
0x3: {  	s0 =	rddreg [dreg:$0x2];
	s3 =	srdreg.scid  }
0x4: {  	s2 =	simm.s32 $0x0;
	s1 =	stileid.u32;
	s15 =	simm.s32 $0x10000  }
0x5: {  	s16 =	simm.s32 $0x14000;
	s17 =	simm.s32 $0x9;
	s18 =	simm.s32 $0x0  }
0x6: {  	s3 =	sand.u32 $0x1, s3;
	s11 =	sshll.u32 s1, $0x10;
	[smem:$0x7FF] =	sst s2  }
0x7: {  	s4 =	ssub.s32 $0x2, s3;
	s12 =	sshll.u32 s3, $0xF;
	_ =	strace $0x80000047  }
0x8: {  	s14 =	sadd.s32 s11, s9;
	s30 =	sshrl.u32 s4, $0x1;
	s5 =	sor.u32 s12, s11  }
0x9: {  	s31 =	sadd.s32 s12, s14;
	s11 =	sadd.s32 s11, s10;
	s14 =	simm.s32 $0xC000  }
0xa: {  	s13 =	ssub.s32 s4, s30;
	s3 =	sadd.s32 s9, s5;
	s10 =	sadd.s32 $0x3000, s31  }
0xb: {  	s11 =	sadd.s32 s12, s11;
	s12 =	simm.s32 $0x4000;
	s4 =	sadd.s32 $0x800, s3  }
0xc: {  	s5 =	sadd.s32 $0x1000, s3;
	s6 =	sadd.s32 $0x1800, s3;
	s7 =	sadd.s32 $0x2000, s3  }
0xd: {  	s8 =	sadd.s32 $0x2800, s3;
	s9 =	smax.u32 s13, $0x1;
	s13 =	simm.s32 $0x8000  }
.LBB2_1:
0xe: {  	[tilespmem:s2], [sflag:$0x1] =	stream.linear.gather [hbm4b:s3+s2], $0x4000, $0x38;
	[tilespmem:$0x1C000] =	vst v63  }
0xf: {  	_ = 	snop  }
0x10: {  	[tilespmem:s12], [sflag:$0x2] =	stream.linear.gather [hbm4b:s4+s2], $0x4000, $0x38;
	[tilespmem:$0x1C000] =	vst v63  }
0x11: {  	_ = 	snop  }
0x12: {  	[tilespmem:s13], [sflag:$0x3] =	stream.linear.gather [hbm4b:s5+s2], $0x4000, $0x38;
	[tilespmem:$0x1C000] =	vst v63  }
0x13: {  	_ = 	snop  }
0x14: {  	[tilespmem:s14], [sflag:$0x4] =	stream.linear.gather [hbm4b:s6+s2], $0x4000, $0x38;
	[tilespmem:$0x1C000] =	vst v63  }
0x15: {  	_ = 	snop  }
0x16: {  	[tilespmem:s15], [sflag:$0x5] =	stream.linear.gather [hbm4b:s7+s2], $0x4000, $0x38;
	[tilespmem:$0x1C000] =	vst v63  }
0x17: {  	s19 =	smov.u32 s11;
	s20 =	smov.u32 s10;
	s21 =	simm.s32 $0x0  }
0x18: {  	[tilespmem:s16], [sflag:$0x6] =	stream.linear.gather [hbm4b:s8+s2], $0x4000, $0x38;
	[tilespmem:$0x1C000] =	vst v63  }
.LBB2_2:
0x19: {  	s22 =	smul.u32 $0x25, s21;
	_ =	sdelay $0x1  }
0x1a: {  	s22 =	sshrl.u32 s22, $0x8  }
0x1b: {  	s23 =	ssub.s32 s21, s22  }
0x1c: {  	s23 =	sand.u32 $0xFE, s23  }
0x1d: {  	p0 =	seq.s32 s21, $0x0;
	s23 =	sshrl.u32 s23, $0x1  }
0x1e: {  	s22 =	sadd.s32 s22, s23;
	s23 =	sadd.s32 @!p0 $0xFFFFFFFF, s21  }
0x1f: {  	s22 =	sand.u32 $0xFC, s22;
	s24 =	sand.u32 @!p0 $0xFF, s23  }
0x20: {  	s22 =	sshrl.u32 s22, $0x2;
	s24 =	smul.u32 @!p0 $0x25, s24  }
0x21: {  	s22 =	smul.u32 $0x7, s22  }
0x22: {  	s24 =	sshrl.u32 @!p0 s24, $0x8  }
0x23: {  	s22 =	ssub.s32 s21, s22;
	s25 =	ssub.s32 @!p0 s23, s24  }
0x24: {  	s22 =	sand.u32 $0xFF, s22;
	s25 =	sand.u32 @!p0 $0xFE, s25  }
0x25: {  	s26 =	sadd.s32 $0x1, s22;
	s25 =	sshrl.u32 @!p0 s25, $0x1  }
0x26: {  	_ =	swait.ge [sflag:s26], $0x4000;
	s24 =	sadd.s32 @!p0 s24, s25  }
0x27: {  	s31 =	sor.u32 $0x8, s22;
	[sflag:s26] =	ssyncset.done $0x0;
	s24 =	sshrl.u32 @!p0 s24, $0x2  }
0x28: {  	s22 =	sshll.u32 s22, $0xE;
	[sflag:s26] =	ssyncadd.s32 $0xFFFFC000;
	s24 =	smul.u32 @!p0 $0x7, s24  }
0x29: {  	[hbm4b:s19+s2] =	stream.linear.scatter [tilespmem:s22], [sflag:s31], $0x4000, $0x38;
	[tilespmem:$0x1C000] =	vst v63  }
0x2a: {  	s22 =	ssub.s32 @!p0 s23, s24  }
0x2b: {  	s22 =	sor.u32 @!p0 $0x8, s22  }
0x2c: {  	s22 =	sand.u32 @!p0 $0xFF, s22  }
0x2d: {  	p1 =	sgt.u32 @!p0 s21, $0x9;
	_ =	swait.ge @!p0 [sflag:s22], $0x4000  }
0x2e: {  	p1 =	por p0, !p1;
	[sflag:s22] =	ssyncset.done @!p0 $0x0  }
0x2f: {  	[sflag:s22] =	ssyncadd.s32 @!p0 $0xFFFFC000;
	s22 =	sadd.s32 @p1 $0x6, s21  }
0x30: {  	s23 =	smul.u32 @p1 $0x25, s22;
	_ =	sdelay $0x1  }
0x31: {  	s23 =	sshrl.u32 @p1 s23, $0x8  }
0x32: {  	s24 =	ssub.s32 @p1 s22, s23  }
0x33: {  	s24 =	sand.u32 @p1 $0xFE, s24  }
0x34: {  	s24 =	sshrl.u32 @p1 s24, $0x1  }
0x35: {  	s23 =	sadd.s32 @p1 s23, s24  }
0x36: {  	s23 =	sand.u32 @p1 $0xFC, s23  }
0x37: {  	s23 =	sshrl.u32 @p1 s23, $0x2  }
0x38: {  	s21 =	sadd.s32 $0x1, s21;
	s23 =	smul.u32 @p1 $0x7, s23  }
0x39: {  	p0 =	sne.s32 s21, $0x10  }
.Ltmp0:
0x3a: {  	s22 =	ssub.s32 @p1 s22, s23;
	(pc) =	sbr.rel @p0 .LBB2_2-.Ltmp0, $4  }
0x3b: {  	s22 =	sand.u32 @p1 $0xFF, s22  }
0x3c: {  	s23 =	sshll.u32 @p1 s22, $0xE;
	s22 =	sadd.s32 @p1 $0x1, s22  }
0x3d: {  	[tilespmem:s23], [sflag:s22] =	stream.linear.gather @p1 [hbm4b:s20+s2], $0x4000, $0x38;
	[tilespmem:$0x1C000] =	vst v63  }
0x3e: {  	s19 =	sadd.s32 $0x800, s19;
	s20 =	sadd.s32 $0x800, s20  }
0x3f: {  	s18 =	sadd.s32 $0x1, s18  }
0x40: {  	p0 =	sne.s32 s18, s9  }
.Ltmp1:
0x41: {  	_ = 	snop;
	(pc) =	sbr.rel @p0 .LBB2_1-.Ltmp1, $4  }
0x42: {  	_ = 	snop  }
0x43: {  	_ =	swait.ge [sflag:s17], $0x4000  }
0x44: {  	[sflag:s17] =	ssyncset.done $0x0  }
0x45: {  	[sflag:s17] =	ssyncadd.s32 $0xFFFFC000  }
0x46: {  	_ =	sfence.sel $0x180000  }
0x47: {  	[bflag:$0x0] =	sbarrier.arrive $0xFFFF  }
0x48: {  	p0 =	sne.s32 s1, $0x0;
	_ =	strace $0x90000047  }
0x49: {  	s0 =	sadd.s32 @!p0 $0x100000, s0;
	[bflag:$0x2] =	sbarrier.arrive $0xFFFF  }
0x4a: {  	[sflag:s0] =	ssyncadd.tile.s32 @!p0 $0x1;
	_ =	shalt  }
.Lfunc_end2:
_tile_overlayer_lowered:
.L_overlay_start_2:
0x4b: {  	(tag) =	ssettag $0x2  }
0x4c: {  	s0 =	rddreg [dreg:$0x0];
	s2 =	stileid.u32  }
0x4d: {  	s1 =	rddreg [dreg:$0x1];
	p0 =	sne.s32 s2, $0x0  }
0x4e: {  	s3 =	rddreg [dreg:$0x2];
	[bflag:$0x3] =	sbarrier.arrive $0xFFFF;
	s2 =	simm.s32 @!p0 $0x1C0F  }
0x4f: {  	[timem:s3], [sflag:s2] =	dma.local @!p0 [hbm:s0], s1  }
0x50: {  	s0 =	simm.s32 @!p0 $0xF  }
0x51: {  	_ =	swait.ge @!p0 [sflag:s0], s1  }
0x52: {  	s1 =	ssub.s32 @!p0 $0x0, s1;
	[sflag:s0] =	ssyncset.done @!p0 $0x0  }
0x53: {  	[sflag:s0] =	ssyncadd.s32 @!p0 s1  }
0x54: {  	[bflag:$0x3] =	sbarrier.arrive $0xFFFF  }
0x55: {  	_ =	shalt  }

</sc_bundles>
